<compile_context>
chip_gen: v7x
topology: tpu7x:2x2x1
jax: 0.10.2.dev20260603
libtpu: 0.0.44.dev20260713+nightly
codegen_flags: <defaults>
</compile_context>

<pallas_src>
import functools

import jax
import jax.numpy as jnp
from jax import lax
from jax.experimental import pallas as pl
from jax.experimental.pallas import tpu as pltpu
from jax.experimental.pallas import tpu_sc as plsc

N = 10000
E = 320000
D = 128

NUM_SC = 2
NUM_TILES = 16
NUM_W = NUM_SC * NUM_TILES
CHUNK = 80
N_CHUNKS = 125
PAD_N = 10240
ROWS_PER_TILE = PAD_N // NUM_TILES


def _sc_scatter_kernel(h_hbm, src_hbm, dst_hbm, agg_hbm,
                       src_v, dst_v, buf0, buf1, agg_sh,
                       gsem0, gsem1, ssem0, ssem1):
    cid = lax.axis_index("c")
    sid = lax.axis_index("s")
    wid = cid * NUM_TILES + sid

    pltpu.async_copy(src_hbm.at[wid], src_v, gsem0)
    pltpu.async_copy(dst_hbm.at[wid], dst_v, gsem1)

    def zbody(i, _):
        buf0[i // 8, pl.ds((i % 8) * 16, 16)] = jnp.zeros((16,), jnp.float32)
        return ()

    lax.fori_loop(0, CHUNK * D // 16, zbody, ())

    def zcopy(k, _):
        pltpu.sync_copy(buf0, agg_sh.at[pl.ds(sid * ROWS_PER_TILE + k * CHUNK, CHUNK)])
        return ()

    lax.fori_loop(0, ROWS_PER_TILE // CHUNK, zcopy, ())
    pltpu.make_async_copy(src_hbm.at[wid], src_v, gsem0).wait()
    pltpu.make_async_copy(dst_hbm.at[wid], dst_v, gsem1).wait()
    plsc.subcore_barrier()

    def sidx(i):
        return src_v.at[pl.ds(pl.multiple_of(i * CHUNK, 8), CHUNK)]

    pltpu.async_copy(h_hbm.at[sidx(0)], buf0, gsem0)
    pltpu.async_copy(h_hbm.at[sidx(1)], buf1, gsem1)

    def body(j, _):
        i0 = 2 * j
        pltpu.make_async_copy(h_hbm.at[sidx(i0)], buf0, gsem0).wait()
        pltpu.sync_copy(buf0, agg_sh.at[dst_v.at[i0]], add=True)
        pltpu.async_copy(h_hbm.at[sidx(i0 + 2)], buf0, gsem0)

        pltpu.make_async_copy(h_hbm.at[sidx(i0 + 1)], buf1, gsem1).wait()
        pltpu.sync_copy(buf1, agg_sh.at[dst_v.at[i0 + 1]], add=True)

        @pl.when(j < N_CHUNKS // 2 - 1)
        def _():
            pltpu.async_copy(h_hbm.at[sidx(i0 + 3)], buf1, gsem1)

        return ()

    lax.fori_loop(0, N_CHUNKS // 2, body, ())

    last = N_CHUNKS - 1
    pltpu.make_async_copy(h_hbm.at[sidx(last)], buf0, gsem0).wait()
    pltpu.sync_copy(buf0, agg_sh.at[dst_v.at[last]], add=True)

    plsc.subcore_barrier()
    pltpu.sync_copy(
        agg_sh.at[pl.ds(sid * ROWS_PER_TILE, ROWS_PER_TILE)],
        agg_hbm.at[cid, pl.ds(sid * ROWS_PER_TILE, ROWS_PER_TILE)],
    )


def _sc_scatter(h, src, dst):
    mesh = plsc.VectorSubcoreMesh(core_axis_name="c", subcore_axis_name="s")
    k = pl.kernel(
        _sc_scatter_kernel,
        mesh=mesh,
        out_type=jax.ShapeDtypeStruct((NUM_SC, PAD_N, D), jnp.float32),
        scratch_types=[
            pltpu.VMEM((N_CHUNKS * CHUNK,), jnp.int32),
            pltpu.VMEM((N_CHUNKS, CHUNK), jnp.int32),
            pltpu.VMEM((CHUNK, D), jnp.float32),
            pltpu.VMEM((CHUNK, D), jnp.float32),
            pltpu.VMEM_SHARED((PAD_N, D), jnp.float32),
            pltpu.SemaphoreType.DMA,
            pltpu.SemaphoreType.DMA,
            pltpu.SemaphoreType.DMA,
            pltpu.SemaphoreType.DMA,
        ],
    )
    return k(h, src, dst)


ROW_BLK = 2000


def _tc_dense_kernel(h_ref, agg_ref, deg_ref, ws_ref, wn_ref, b_ref, out_ref):
    a = agg_ref[0] + agg_ref[1]
    scale = 1.0 / jnp.clip(deg_ref[...], 1.0, None)
    a = a * scale
    acc = jnp.dot(h_ref[...], ws_ref[...], preferred_element_type=jnp.float32)
    acc += jnp.dot(a, wn_ref[...], preferred_element_type=jnp.float32)
    acc += b_ref[...]
    out_ref[...] = jnp.maximum(acc, 0.0)


def _tc_dense(h, agg_parts, deg, W_self, b_self, W_nei):
    grid = (N // ROW_BLK,)
    return pl.pallas_call(
        _tc_dense_kernel,
        grid=grid,
        in_specs=[
            pl.BlockSpec((ROW_BLK, D), lambda i: (i, 0)),
            pl.BlockSpec((NUM_SC, ROW_BLK, D), lambda i: (0, i, 0)),
            pl.BlockSpec((ROW_BLK, 1), lambda i: (i, 0)),
            pl.BlockSpec((D, D), lambda i: (0, 0)),
            pl.BlockSpec((D, D), lambda i: (0, 0)),
            pl.BlockSpec((1, D), lambda i: (0, 0)),
        ],
        out_specs=pl.BlockSpec((ROW_BLK, D), lambda i: (i, 0)),
        out_shape=jax.ShapeDtypeStruct((N, D), jnp.float32),
    )(h, agg_parts, deg.reshape(N, 1), W_self.T, W_nei.T, b_self.reshape(1, D))


@jax.jit
def kernel(h, edge_index, deg, W_self, b_self, W_nei):
    e = edge_index.astype(jnp.int32)
    src = e[0].reshape(NUM_W, N_CHUNKS * CHUNK)
    dst = e[1].reshape(NUM_W, N_CHUNKS, CHUNK)
    agg_parts = _sc_scatter(h, src, dst)
    return _tc_dense(h, agg_parts, deg, W_self, b_self, W_nei)

# --- scband reference (transcript-rebuilt; emitter-appended) ---
"""Pipeline reference for scband-gcnlayer-34273839022909 (READ-ONLY COPY).

The authoritative reference and input builder live on the scoring server;
editing this copy changes nothing except your own understanding.
"""

import jax, jax.numpy as jnp
import numpy as np

N = 10000
E = 320000
D_IN = 128
D_OUT = 128

def setup_inputs(seed: int = 0) -> dict:
    key = jax.random.key(seed)
    k1, k2, k3, k4, k5 = jax.random.split(key, 5)
    h = jax.random.normal(k1, (N, D_IN), dtype=jnp.float32)
    edge_index = jax.random.randint(k2, (2, E), 0, N, dtype=jnp.int64)
    deg = jnp.ones((N,), dtype=jnp.float32)
    # learned parameters (nn.Linear style: out = x @ W.T + b)
    bound_self = 1.0 / np.sqrt(D_IN)
    W_self = jax.random.uniform(k3, (D_OUT, D_IN), minval=-bound_self, maxval=bound_self, dtype=jnp.float32)
    b_self = jax.random.uniform(k4, (D_OUT,), minval=-bound_self, maxval=bound_self, dtype=jnp.float32)
    W_nei = jax.random.uniform(k5, (D_OUT, D_IN), minval=-bound_self, maxval=bound_self, dtype=jnp.float32)
    return {"h": h, "edge_index": edge_index, "deg": deg, "W_self": W_self, "b_self": b_self, "W_nei": W_nei}

def reference(h, edge_index, deg, W_self, b_self, W_nei):
    src = edge_index[0]
    dst = edge_index[1]
    # gather messages from source nodes
    msg = jnp.take(h, src, axis=0)
    # scatter-add into destination nodes
    agg = jnp.zeros_like(h).at[dst].add(msg)
    # mean normalization by degree (clamped at 1)
    agg = agg / jnp.clip(deg, 1.0, None)[:, None]
    out = h @ W_self.T + b_self + agg @ W_nei.T
    out = jax.nn.relu(out)
    # dropout p=0.0 (eval / identity)
    return out

if __name__ == "__main__":
    import jax
    _d = setup_inputs()
    print(jax.jit(kernel)(*tuple(_d.values())))

</pallas_src>

<mosaic_0001>
#map = affine_map<(d0, d1) -> (0, 0)>
#map1 = affine_map<(d0, d1) -> (0, 0, 0)>
module attributes {stable_mosaic.version = 14 : i64} {
  func.func @_sc_scatter_kernel(%arg0: i32, %arg1: i32, %arg2: memref<10000x128xf32, #tpu.memory_space<hbm>>, %arg3: memref<32x10000xi32, #tpu.memory_space<hbm>>, %arg4: memref<32x125x80xi32, #tpu.memory_space<hbm>>, %arg5: memref<2x10240x128xf32, #tpu.memory_space<hbm>>, %arg6: memref<10000xi32, #tpu.memory_space<vmem>>, %arg7: memref<125x80xi32, #tpu.memory_space<vmem>>, %arg8: memref<80x128xf32, #tpu.memory_space<vmem>>, %arg9: memref<80x128xf32, #tpu.memory_space<vmem>>, %arg10: memref<10240x128xf32, #tpu.memory_space<vmem_shared>>, %arg11: memref<!tpu.dma_semaphore, #tpu.memory_space<semaphore_mem>>, %arg12: memref<!tpu.dma_semaphore, #tpu.memory_space<semaphore_mem>>, %arg13: memref<!tpu.dma_semaphore, #tpu.memory_space<semaphore_mem>>, %arg14: memref<!tpu.dma_semaphore, #tpu.memory_space<semaphore_mem>>) attributes {dimension_semantics = [#tpu.dimension_semantics<core_parallel>, #tpu.dimension_semantics<subcore_parallel>], iteration_bounds = array<i64: 2, 16>, scalar_prefetch = 0 : i64, scratch_operands = 9 : i64, tpu.core_type = #tpu.core_type<sc_vector_subcore>, window_params = [{transform_indices = #map}, {transform_indices = #map}, {transform_indices = #map1}, {transform_indices = #map1}]} {
    %mul3A = arith.constant 16 : i32
    %mul3A_0 = arith.muli %arg0, %mul3A : i32
    %add3A = arith.addi %mul3A_0, %arg1 : i32
    %dma_start3A = arith.constant 0 : i32
    %dma_start3A_1 = tpu.memref_slice %arg3[%add3A, %dma_start3A] : memref<32x10000xi32, #tpu.memory_space<hbm>> -> memref<1x10000xi32, #tpu.memory_space<hbm>>
    %dma_start3A_2 = tpu.memref_squeeze %dma_start3A_1 : memref<1x10000xi32, #tpu.memory_space<hbm>> -> memref<10000xi32, #tpu.memory_space<hbm>>
    %dma_start3A_3 = arith.constant 0 : i32
    %dma_start3A_4 = tpu.memref_slice %arg3[%add3A, %dma_start3A_3] : memref<32x10000xi32, #tpu.memory_space<hbm>> -> memref<1x10000xi32, #tpu.memory_space<hbm>>
    %dma_start3A_5 = tpu.memref_squeeze %dma_start3A_4 : memref<1x10000xi32, #tpu.memory_space<hbm>> -> memref<10000xi32, #tpu.memory_space<hbm>>
    tpu.enqueue_dma source(%dma_start3A_5 : memref<10000xi32, #tpu.memory_space<hbm>>) target(%arg6 : memref<10000xi32, #tpu.memory_space<vmem>>) target_semaphore(%arg11 : memref<!tpu.dma_semaphore, #tpu.memory_space<semaphore_mem>>)
    %dma_start3A_6 = arith.constant 0 : i32
    %dma_start3A_7 = arith.constant 0 : i32
    %dma_start3A_8 = tpu.memref_slice %arg4[%add3A, %dma_start3A_6, %dma_start3A_7] : memref<32x125x80xi32, #tpu.memory_space<hbm>> -> memref<1x125x80xi32, #tpu.memory_space<hbm>>
    %dma_start3A_9 = tpu.memref_squeeze %dma_start3A_8 : memref<1x125x80xi32, #tpu.memory_space<hbm>> -> memref<125x80xi32, #tpu.memory_space<hbm>>
    %dma_start3A_10 = arith.constant 0 : i32
    %dma_start3A_11 = arith.constant 0 : i32
    %dma_start3A_12 = tpu.memref_slice %arg4[%add3A, %dma_start3A_10, %dma_start3A_11] : memref<32x125x80xi32, #tpu.memory_space<hbm>> -> memref<1x125x80xi32, #tpu.memory_space<hbm>>
    %dma_start3A_13 = tpu.memref_squeeze %dma_start3A_12 : memref<1x125x80xi32, #tpu.memory_space<hbm>> -> memref<125x80xi32, #tpu.memory_space<hbm>>
    tpu.enqueue_dma source(%dma_start3A_13 : memref<125x80xi32, #tpu.memory_space<hbm>>) target(%arg7 : memref<125x80xi32, #tpu.memory_space<vmem>>) target_semaphore(%arg12 : memref<!tpu.dma_semaphore, #tpu.memory_space<semaphore_mem>>)
    %scan3A = arith.constant 0 : i32
    %scan3A_14 = arith.constant 640 : i32
    %scan3A_15 = arith.addi %scan3A, %scan3A_14 : i32
    %scan3A_16 = arith.constant 1 : i32
    scf.for %scan3A_63 = %scan3A to %scan3A_15 step %scan3A_16  : i32 {
      %broadcast_in_dim3A = arith.constant 0.000000e+00 : f32
      %broadcast_in_dim3A_64 = vector.broadcast %broadcast_in_dim3A : f32 to vector<16xf32>
      %jit3A = arith.constant 8 : i32
      %div3A = arith.divsi %scan3A_63, %jit3A : i32
      %sign3A = arith.constant 0 : i32
      %sign3A_65 = arith.cmpi sgt, %scan3A_63, %sign3A : i32
      %sign3A_66 = arith.extui %sign3A_65 : i1 to i32
      %sign3A_67 = arith.constant 0 : i32
      %sign3A_68 = arith.cmpi slt, %scan3A_63, %sign3A_67 : i32
      %sign3A_69 = arith.extui %sign3A_68 : i1 to i32
      %sign3A_70 = arith.subi %sign3A_66, %sign3A_69 : i32
      %sign3A_71 = arith.constant 0 : i32
      %sign3A_72 = arith.cmpi sgt, %jit3A, %sign3A_71 : i32
      %sign3A_73 = arith.extui %sign3A_72 : i1 to i32
      %sign3A_74 = arith.constant 0 : i32
      %sign3A_75 = arith.cmpi slt, %jit3A, %sign3A_74 : i32
      %sign3A_76 = arith.extui %sign3A_75 : i1 to i32
      %sign3A_77 = arith.subi %sign3A_73, %sign3A_76 : i32
      %ne3A = arith.cmpi ne, %sign3A_70, %sign3A_77 : i32
      %rem3A = arith.remsi %scan3A_63, %jit3A : i32
      %ne3A_78 = arith.constant 0 : i32
      %ne3A_79 = arith.cmpi ne, %rem3A, %ne3A_78 : i32
      %and3A = arith.andi %ne3A, %ne3A_79 : i1
      %sub3A = arith.constant 1 : i32
      %sub3A_80 = arith.subi %div3A, %sub3A : i32
      %select_n3A = arith.select %and3A, %sub3A_80, %div3A : i32
      %jit3A_81 = arith.constant 8 : i32
      %eq3A = arith.constant 0 : i32
      %eq3A_82 = arith.cmpi eq, %jit3A_81, %eq3A : i32
      %jit3A_83 = arith.constant 1 : i32
      %select_n3A_84 = arith.select %eq3A_82, %jit3A_83, %jit3A_81 : i32
      %rem3A_85 = arith.remsi %scan3A_63, %select_n3A_84 : i32
      %ne3A_86 = arith.constant 0 : i32
      %ne3A_87 = arith.cmpi ne, %rem3A_85, %ne3A_86 : i32
      %lt3A = arith.constant 0 : i32
      %lt3A_88 = arith.cmpi slt, %rem3A_85, %lt3A : i32
      %lt3A_89 = arith.constant 0 : i32
      %lt3A_90 = arith.cmpi slt, %select_n3A_84, %lt3A_89 : i32
      %ne3A_91 = arith.xori %lt3A_88, %lt3A_90 : i1
      %and3A_92 = arith.andi %ne3A_91, %ne3A_87 : i1
      %add3A_93 = arith.addi %rem3A_85, %select_n3A_84 : i32
      %select_n3A_94 = arith.select %and3A_92, %add3A_93, %rem3A_85 : i32
      %mul3A_95 = arith.constant 16 : i32
      %mul3A_96 = arith.muli %select_n3A_94, %mul3A_95 : i32
      %swap3A = arith.index_cast %select_n3A : i32 to index
      %swap3A_97 = arith.index_cast %mul3A_96 : i32 to index
      %swap3A_98 = tpu.vector_load %arg8[%swap3A, %swap3A_97] {strides = array<i32>} : memref<80x128xf32, #tpu.memory_space<vmem>>, vector<1x16xf32>,
      %swap3A_99 = vector.shape_cast %swap3A_98 : vector<1x16xf32> to vector<16xf32>
      %swap3A_100 = vector.shape_cast %broadcast_in_dim3A_64 : vector<16xf32> to vector<1x16xf32>
      tpu.vector_store %arg8[%swap3A, %swap3A_97], %swap3A_100 {strides = array<i32>} : memref<80x128xf32, #tpu.memory_space<vmem>>, vector<1x16xf32>,
    }
    %scan3A_17 = arith.constant 640 : i32
    %scan3A_18 = arith.constant 0 : i32
    %scan3A_19 = arith.constant 8 : i32
    %scan3A_20 = arith.addi %scan3A_18, %scan3A_19 : i32
    %scan3A_21 = arith.constant 1 : i32
    scf.for %scan3A_63 = %scan3A_18 to %scan3A_20 step %scan3A_21  : i32 {
      %mul3A_64 = arith.constant 640 : i32
      %mul3A_65 = arith.muli %arg1, %mul3A_64 : i32
      %mul3A_66 = arith.constant 80 : i32
      %mul3A_67 = arith.muli %scan3A_63, %mul3A_66 : i32
      %add3A_68 = arith.addi %mul3A_65, %mul3A_67 : i32
      "tpu.region"() ({
        %run_scoped3A_69 = tpu.sem_alloc : memref<!tpu.dma_semaphore, #tpu.memory_space<semaphore_mem>>
        %dma_start3A_70 = arith.constant 0 : i32
        %dma_start3A_71 = tpu.memref_slice %arg10[%add3A_68, %dma_start3A_70] : memref<10240x128xf32, #tpu.memory_space<vmem_shared>> -> memref<80x128xf32, #tpu.memory_space<vmem_shared>>
        %dma_start3A_72 = arith.constant 0 : i32
        %dma_start3A_73 = tpu.memref_slice %arg10[%add3A_68, %dma_start3A_72] : memref<10240x128xf32, #tpu.memory_space<vmem_shared>> -> memref<80x128xf32, #tpu.memory_space<vmem_shared>>
        tpu.enqueue_dma source(%arg8 : memref<80x128xf32, #tpu.memory_space<vmem>>) target(%dma_start3A_73 : memref<80x128xf32, #tpu.memory_space<vmem_shared>>) target_semaphore(%run_scoped3A_69 : memref<!tpu.dma_semaphore, #tpu.memory_space<semaphore_mem>>)
        %dma_wait3A_74 = arith.constant 0 : i32
        %dma_wait3A_75 = tpu.memref_slice %arg10[%add3A_68, %dma_wait3A_74] : memref<10240x128xf32, #tpu.memory_space<vmem_shared>> -> memref<80x128xf32, #tpu.memory_space<vmem_shared>>
        %dma_wait3A_76 = arith.constant 0 : i32
        %dma_wait3A_77 = tpu.memref_slice %arg10[%add3A_68, %dma_wait3A_76] : memref<10240x128xf32, #tpu.memory_space<vmem_shared>> -> memref<80x128xf32, #tpu.memory_space<vmem_shared>>
        tpu.wait_dma2 semaphore(%run_scoped3A_69 : memref<!tpu.dma_semaphore, #tpu.memory_space<semaphore_mem>>) src(%arg8 : memref<80x128xf32, #tpu.memory_space<vmem>>) dst(%dma_wait3A_77 : memref<80x128xf32, #tpu.memory_space<vmem_shared>>)
        tpu.yield
      }) : () -> ()
    }
    %scan3A_22 = arith.constant 8 : i32
    %dma_wait3A = arith.constant 0 : i32
    %dma_wait3A_23 = tpu.memref_slice %arg3[%add3A, %dma_wait3A] : memref<32x10000xi32, #tpu.memory_space<hbm>> -> memref<1x10000xi32, #tpu.memory_space<hbm>>
    %dma_wait3A_24 = tpu.memref_squeeze %dma_wait3A_23 : memref<1x10000xi32, #tpu.memory_space<hbm>> -> memref<10000xi32, #tpu.memory_space<hbm>>
    %dma_wait3A_25 = arith.constant 0 : i32
    %dma_wait3A_26 = tpu.memref_slice %arg3[%add3A, %dma_wait3A_25] : memref<32x10000xi32, #tpu.memory_space<hbm>> -> memref<1x10000xi32, #tpu.memory_space<hbm>>
    %dma_wait3A_27 = tpu.memref_squeeze %dma_wait3A_26 : memref<1x10000xi32, #tpu.memory_space<hbm>> -> memref<10000xi32, #tpu.memory_space<hbm>>
    tpu.wait_dma2 semaphore(%arg11 : memref<!tpu.dma_semaphore, #tpu.memory_space<semaphore_mem>>) src(%dma_wait3A_27 : memref<10000xi32, #tpu.memory_space<hbm>>) dst(%arg6 : memref<10000xi32, #tpu.memory_space<vmem>>)
    %dma_wait3A_28 = arith.constant 0 : i32
    %dma_wait3A_29 = arith.constant 0 : i32
    %dma_wait3A_30 = tpu.memref_slice %arg4[%add3A, %dma_wait3A_28, %dma_wait3A_29] : memref<32x125x80xi32, #tpu.memory_space<hbm>> -> memref<1x125x80xi32, #tpu.memory_space<hbm>>
    %dma_wait3A_31 = tpu.memref_squeeze %dma_wait3A_30 : memref<1x125x80xi32, #tpu.memory_space<hbm>> -> memref<125x80xi32, #tpu.memory_space<hbm>>
    %dma_wait3A_32 = arith.constant 0 : i32
    %dma_wait3A_33 = arith.constant 0 : i32
    %dma_wait3A_34 = tpu.memref_slice %arg4[%add3A, %dma_wait3A_32, %dma_wait3A_33] : memref<32x125x80xi32, #tpu.memory_space<hbm>> -> memref<1x125x80xi32, #tpu.memory_space<hbm>>
    %dma_wait3A_35 = tpu.memref_squeeze %dma_wait3A_34 : memref<1x125x80xi32, #tpu.memory_space<hbm>> -> memref<125x80xi32, #tpu.memory_space<hbm>>
    tpu.wait_dma2 semaphore(%arg12 : memref<!tpu.dma_semaphore, #tpu.memory_space<semaphore_mem>>) src(%dma_wait3A_35 : memref<125x80xi32, #tpu.memory_space<hbm>>) dst(%arg7 : memref<125x80xi32, #tpu.memory_space<vmem>>)
    %barrier3A = arith.constant 0 : index
    tpu.barrier barrier_id(%barrier3A)
    %multiple_of3A = arith.constant 0 : i32
    %multiple_of3A_36 = tpu.assume_multiple %multiple_of3A, 8 : i32
    %dma_start3A_37 = tpu.memref_slice %arg6[%multiple_of3A_36] : memref<10000xi32, #tpu.memory_space<vmem>> -> memref<80xi32, #tpu.memory_space<vmem>>
    %dma_start3A_38 = arith.constant 0 : i32
    %dma_start3A_39 = arith.constant 0 : i32
    %dma_start3A_40 = tpu.memref_slice %arg2[%dma_start3A_38, %dma_start3A_39] : memref<10000x128xf32, #tpu.memory_space<hbm>> -> memref<10000x128xf32, #tpu.memory_space<hbm>>
    tpu.enqueue_indirect_dma source(%dma_start3A_40 : memref<10000x128xf32, #tpu.memory_space<hbm>>) target(%arg8 : memref<80x128xf32, #tpu.memory_space<vmem>>) offsets(%dma_start3A_37 : memref<80xi32, #tpu.memory_space<vmem>>) semaphore(%arg11 : memref<!tpu.dma_semaphore, #tpu.memory_space<semaphore_mem>>)
    %multiple_of3A_41 = arith.constant 80 : i32
    %multiple_of3A_42 = tpu.assume_multiple %multiple_of3A_41, 8 : i32
    %dma_start3A_43 = tpu.memref_slice %arg6[%multiple_of3A_42] : memref<10000xi32, #tpu.memory_space<vmem>> -> memref<80xi32, #tpu.memory_space<vmem>>
    %dma_start3A_44 = arith.constant 0 : i32
    %dma_start3A_45 = arith.constant 0 : i32
    %dma_start3A_46 = tpu.memref_slice %arg2[%dma_start3A_44, %dma_start3A_45] : memref<10000x128xf32, #tpu.memory_space<hbm>> -> memref<10000x128xf32, #tpu.memory_space<hbm>>
    tpu.enqueue_indirect_dma source(%dma_start3A_46 : memref<10000x128xf32, #tpu.memory_space<hbm>>) target(%arg9 : memref<80x128xf32, #tpu.memory_space<vmem>>) offsets(%dma_start3A_43 : memref<80xi32, #tpu.memory_space<vmem>>) semaphore(%arg12 : memref<!tpu.dma_semaphore, #tpu.memory_space<semaphore_mem>>)
    %scan3A_47 = arith.constant 0 : i32
    %scan3A_48 = arith.constant 62 : i32
    %scan3A_49 = arith.addi %scan3A_47, %scan3A_48 : i32
    %scan3A_50 = arith.constant 1 : i32
    scf.for %scan3A_63 = %scan3A_47 to %scan3A_49 step %scan3A_50  : i32 {
      %mul3A_64 = arith.constant 2 : i32
      %mul3A_65 = arith.muli %mul3A_64, %scan3A_63 : i32
      %mul3A_66 = arith.constant 80 : i32
      %mul3A_67 = arith.muli %mul3A_65, %mul3A_66 : i32
      %multiple_of3A_68 = tpu.assume_multiple %mul3A_67, 8 : i32
      %dma_wait3A_69 = tpu.memref_slice %arg6[%multiple_of3A_68] : memref<10000xi32, #tpu.memory_space<vmem>> -> memref<80xi32, #tpu.memory_space<vmem>>
      %dma_wait3A_70 = arith.constant 0 : i32
      %dma_wait3A_71 = arith.constant 0 : i32
      %dma_wait3A_72 = tpu.memref_slice %arg2[%dma_wait3A_70, %dma_wait3A_71] : memref<10000x128xf32, #tpu.memory_space<hbm>> -> memref<10000x128xf32, #tpu.memory_space<hbm>>
      tpu.wait_indirect_dma semaphore(%arg11 : memref<!tpu.dma_semaphore, #tpu.memory_space<semaphore_mem>>) src(%dma_wait3A_72 : memref<10000x128xf32, #tpu.memory_space<hbm>>) dst(%arg8 : memref<80x128xf32, #tpu.memory_space<vmem>>)
      "tpu.region"() ({
        %run_scoped3A_95 = tpu.sem_alloc : memref<!tpu.dma_semaphore, #tpu.memory_space<semaphore_mem>>
        %dma_start3A_96 = arith.constant 0 : i32
        %dma_start3A_97 = tpu.memref_slice %arg7[%mul3A_65, %dma_start3A_96] : memref<125x80xi32, #tpu.memory_space<vmem>> -> memref<1x80xi32, #tpu.memory_space<vmem>>
        %dma_start3A_98 = tpu.memref_squeeze %dma_start3A_97 : memref<1x80xi32, #tpu.memory_space<vmem>> -> memref<80xi32, #tpu.memory_space<vmem>>
        %dma_start3A_99 = arith.constant 0 : i32
        %dma_start3A_100 = arith.constant 0 : i32
        %dma_start3A_101 = tpu.memref_slice %arg10[%dma_start3A_99, %dma_start3A_100] : memref<10240x128xf32, #tpu.memory_space<vmem_shared>> -> memref<10240x128xf32, #tpu.memory_space<vmem_shared>>
        tpu.enqueue_indirect_dma source(%arg8 : memref<80x128xf32, #tpu.memory_space<vmem>>) target(%dma_start3A_101 : memref<10240x128xf32, #tpu.memory_space<vmem_shared>>) offsets(%dma_start3A_98 : memref<80xi32, #tpu.memory_space<vmem>>) semaphore(%run_scoped3A_95 : memref<!tpu.dma_semaphore, #tpu.memory_space<semaphore_mem>>) {add = true}
        %dma_wait3A_102 = arith.constant 0 : i32
        %dma_wait3A_103 = tpu.memref_slice %arg7[%mul3A_65, %dma_wait3A_102] : memref<125x80xi32, #tpu.memory_space<vmem>> -> memref<1x80xi32, #tpu.memory_space<vmem>>
        %dma_wait3A_104 = tpu.memref_squeeze %dma_wait3A_103 : memref<1x80xi32, #tpu.memory_space<vmem>> -> memref<80xi32, #tpu.memory_space<vmem>>
        %dma_wait3A_105 = arith.constant 0 : i32
        %dma_wait3A_106 = arith.constant 0 : i32
        %dma_wait3A_107 = tpu.memref_slice %arg10[%dma_wait3A_105, %dma_wait3A_106] : memref<10240x128xf32, #tpu.memory_space<vmem_shared>> -> memref<10240x128xf32, #tpu.memory_space<vmem_shared>>
        tpu.wait_indirect_dma semaphore(%run_scoped3A_95 : memref<!tpu.dma_semaphore, #tpu.memory_space<semaphore_mem>>) src(%arg8 : memref<80x128xf32, #tpu.memory_space<vmem>>) dst(%dma_wait3A_107 : memref<10240x128xf32, #tpu.memory_space<vmem_shared>>)
        tpu.yield
      }) : () -> ()
      %add3A_73 = arith.constant 2 : i32
      %add3A_74 = arith.addi %mul3A_65, %add3A_73 : i32
      %mul3A_75 = arith.constant 80 : i32
      %mul3A_76 = arith.muli %add3A_74, %mul3A_75 : i32
      %multiple_of3A_77 = tpu.assume_multiple %mul3A_76, 8 : i32
      %dma_start3A_78 = tpu.memref_slice %arg6[%multiple_of3A_77] : memref<10000xi32, #tpu.memory_space<vmem>> -> memref<80xi32, #tpu.memory_space<vmem>>
      %dma_start3A_79 = arith.constant 0 : i32
      %dma_start3A_80 = arith.constant 0 : i32
      %dma_start3A_81 = tpu.memref_slice %arg2[%dma_start3A_79, %dma_start3A_80] : memref<10000x128xf32, #tpu.memory_space<hbm>> -> memref<10000x128xf32, #tpu.memory_space<hbm>>
      tpu.enqueue_indirect_dma source(%dma_start3A_81 : memref<10000x128xf32, #tpu.memory_space<hbm>>) target(%arg8 : memref<80x128xf32, #tpu.memory_space<vmem>>) offsets(%dma_start3A_78 : memref<80xi32, #tpu.memory_space<vmem>>) semaphore(%arg11 : memref<!tpu.dma_semaphore, #tpu.memory_space<semaphore_mem>>)
      %add3A_82 = arith.constant 1 : i32
      %add3A_83 = arith.addi %mul3A_65, %add3A_82 : i32
      %mul3A_84 = arith.constant 80 : i32
      %mul3A_85 = arith.muli %add3A_83, %mul3A_84 : i32
      %multiple_of3A_86 = tpu.assume_multiple %mul3A_85, 8 : i32
      %dma_wait3A_87 = tpu.memref_slice %arg6[%multiple_of3A_86] : memref<10000xi32, #tpu.memory_space<vmem>> -> memref<80xi32, #tpu.memory_space<vmem>>
      %dma_wait3A_88 = arith.constant 0 : i32
      %dma_wait3A_89 = arith.constant 0 : i32
      %dma_wait3A_90 = tpu.memref_slice %arg2[%dma_wait3A_88, %dma_wait3A_89] : memref<10000x128xf32, #tpu.memory_space<hbm>> -> memref<10000x128xf32, #tpu.memory_space<hbm>>
      tpu.wait_indirect_dma semaphore(%arg12 : memref<!tpu.dma_semaphore, #tpu.memory_space<semaphore_mem>>) src(%dma_wait3A_90 : memref<10000x128xf32, #tpu.memory_space<hbm>>) dst(%arg9 : memref<80x128xf32, #tpu.memory_space<vmem>>)
      %add3A_91 = arith.constant 1 : i32
      %add3A_92 = arith.addi %mul3A_65, %add3A_91 : i32
      "tpu.region"() ({
        %run_scoped3A_95 = tpu.sem_alloc : memref<!tpu.dma_semaphore, #tpu.memory_space<semaphore_mem>>
        %dma_start3A_96 = arith.constant 0 : i32
        %dma_start3A_97 = tpu.memref_slice %arg7[%add3A_92, %dma_start3A_96] : memref<125x80xi32, #tpu.memory_space<vmem>> -> memref<1x80xi32, #tpu.memory_space<vmem>>
        %dma_start3A_98 = tpu.memref_squeeze %dma_start3A_97 : memref<1x80xi32, #tpu.memory_space<vmem>> -> memref<80xi32, #tpu.memory_space<vmem>>
        %dma_start3A_99 = arith.constant 0 : i32
        %dma_start3A_100 = arith.constant 0 : i32
        %dma_start3A_101 = tpu.memref_slice %arg10[%dma_start3A_99, %dma_start3A_100] : memref<10240x128xf32, #tpu.memory_space<vmem_shared>> -> memref<10240x128xf32, #tpu.memory_space<vmem_shared>>
        tpu.enqueue_indirect_dma source(%arg9 : memref<80x128xf32, #tpu.memory_space<vmem>>) target(%dma_start3A_101 : memref<10240x128xf32, #tpu.memory_space<vmem_shared>>) offsets(%dma_start3A_98 : memref<80xi32, #tpu.memory_space<vmem>>) semaphore(%run_scoped3A_95 : memref<!tpu.dma_semaphore, #tpu.memory_space<semaphore_mem>>) {add = true}
        %dma_wait3A_102 = arith.constant 0 : i32
        %dma_wait3A_103 = tpu.memref_slice %arg7[%add3A_92, %dma_wait3A_102] : memref<125x80xi32, #tpu.memory_space<vmem>> -> memref<1x80xi32, #tpu.memory_space<vmem>>
        %dma_wait3A_104 = tpu.memref_squeeze %dma_wait3A_103 : memref<1x80xi32, #tpu.memory_space<vmem>> -> memref<80xi32, #tpu.memory_space<vmem>>
        %dma_wait3A_105 = arith.constant 0 : i32
        %dma_wait3A_106 = arith.constant 0 : i32
        %dma_wait3A_107 = tpu.memref_slice %arg10[%dma_wait3A_105, %dma_wait3A_106] : memref<10240x128xf32, #tpu.memory_space<vmem_shared>> -> memref<10240x128xf32, #tpu.memory_space<vmem_shared>>
        tpu.wait_indirect_dma semaphore(%run_scoped3A_95 : memref<!tpu.dma_semaphore, #tpu.memory_space<semaphore_mem>>) src(%arg9 : memref<80x128xf32, #tpu.memory_space<vmem>>) dst(%dma_wait3A_107 : memref<10240x128xf32, #tpu.memory_space<vmem_shared>>)
        tpu.yield
      }) : () -> ()
      %lt3A = arith.constant 61 : i32
      %lt3A_93 = arith.cmpi slt, %scan3A_63, %lt3A : i32
      %convert_element_type3A = arith.extui %lt3A_93 : i1 to i32
      %cond3A = arith.constant 0 : i32
      %cond3A_94 = arith.cmpi ne, %convert_element_type3A, %cond3A : i32
      scf.if %cond3A_94 {
        %add3A_95 = arith.constant 3 : i32
        %add3A_96 = arith.addi %mul3A_65, %add3A_95 : i32
        %mul3A_97 = arith.constant 80 : i32
        %mul3A_98 = arith.muli %add3A_96, %mul3A_97 : i32
        %multiple_of3A_99 = tpu.assume_multiple %mul3A_98, 8 : i32
        %dma_start3A_100 = tpu.memref_slice %arg6[%multiple_of3A_99] : memref<10000xi32, #tpu.memory_space<vmem>> -> memref<80xi32, #tpu.memory_space<vmem>>
        %dma_start3A_101 = arith.constant 0 : i32
        %dma_start3A_102 = arith.constant 0 : i32
        %dma_start3A_103 = tpu.memref_slice %arg2[%dma_start3A_101, %dma_start3A_102] : memref<10000x128xf32, #tpu.memory_space<hbm>> -> memref<10000x128xf32, #tpu.memory_space<hbm>>
        tpu.enqueue_indirect_dma source(%dma_start3A_103 : memref<10000x128xf32, #tpu.memory_space<hbm>>) target(%arg9 : memref<80x128xf32, #tpu.memory_space<vmem>>) offsets(%dma_start3A_100 : memref<80xi32, #tpu.memory_space<vmem>>) semaphore(%arg12 : memref<!tpu.dma_semaphore, #tpu.memory_space<semaphore_mem>>)
      } else {
      }
    }
    %scan3A_51 = arith.constant 62 : i32
    %multiple_of3A_52 = arith.constant 9920 : i32
    %multiple_of3A_53 = tpu.assume_multiple %multiple_of3A_52, 8 : i32
    %dma_wait3A_54 = tpu.memref_slice %arg6[%multiple_of3A_53] : memref<10000xi32, #tpu.memory_space<vmem>> -> memref<80xi32, #tpu.memory_space<vmem>>
    %dma_wait3A_55 = arith.constant 0 : i32
    %dma_wait3A_56 = arith.constant 0 : i32
    %dma_wait3A_57 = tpu.memref_slice %arg2[%dma_wait3A_55, %dma_wait3A_56] : memref<10000x128xf32, #tpu.memory_space<hbm>> -> memref<10000x128xf32, #tpu.memory_space<hbm>>
    tpu.wait_indirect_dma semaphore(%arg11 : memref<!tpu.dma_semaphore, #tpu.memory_space<semaphore_mem>>) src(%dma_wait3A_57 : memref<10000x128xf32, #tpu.memory_space<hbm>>) dst(%arg8 : memref<80x128xf32, #tpu.memory_space<vmem>>)
    %run_scoped3A = arith.constant 124 : i32
    "tpu.region"() ({
      %run_scoped3A_63 = tpu.sem_alloc : memref<!tpu.dma_semaphore, #tpu.memory_space<semaphore_mem>>
      %dma_start3A_64 = arith.constant 0 : i32
      %dma_start3A_65 = tpu.memref_slice %arg7[%run_scoped3A, %dma_start3A_64] : memref<125x80xi32, #tpu.memory_space<vmem>> -> memref<1x80xi32, #tpu.memory_space<vmem>>
      %dma_start3A_66 = tpu.memref_squeeze %dma_start3A_65 : memref<1x80xi32, #tpu.memory_space<vmem>> -> memref<80xi32, #tpu.memory_space<vmem>>
      %dma_start3A_67 = arith.constant 0 : i32
      %dma_start3A_68 = arith.constant 0 : i32
      %dma_start3A_69 = tpu.memref_slice %arg10[%dma_start3A_67, %dma_start3A_68] : memref<10240x128xf32, #tpu.memory_space<vmem_shared>> -> memref<10240x128xf32, #tpu.memory_space<vmem_shared>>
      tpu.enqueue_indirect_dma source(%arg8 : memref<80x128xf32, #tpu.memory_space<vmem>>) target(%dma_start3A_69 : memref<10240x128xf32, #tpu.memory_space<vmem_shared>>) offsets(%dma_start3A_66 : memref<80xi32, #tpu.memory_space<vmem>>) semaphore(%run_scoped3A_63 : memref<!tpu.dma_semaphore, #tpu.memory_space<semaphore_mem>>) {add = true}
      %dma_wait3A_70 = arith.constant 0 : i32
      %dma_wait3A_71 = tpu.memref_slice %arg7[%run_scoped3A, %dma_wait3A_70] : memref<125x80xi32, #tpu.memory_space<vmem>> -> memref<1x80xi32, #tpu.memory_space<vmem>>
      %dma_wait3A_72 = tpu.memref_squeeze %dma_wait3A_71 : memref<1x80xi32, #tpu.memory_space<vmem>> -> memref<80xi32, #tpu.memory_space<vmem>>
      %dma_wait3A_73 = arith.constant 0 : i32
      %dma_wait3A_74 = arith.constant 0 : i32
      %dma_wait3A_75 = tpu.memref_slice %arg10[%dma_wait3A_73, %dma_wait3A_74] : memref<10240x128xf32, #tpu.memory_space<vmem_shared>> -> memref<10240x128xf32, #tpu.memory_space<vmem_shared>>
      tpu.wait_indirect_dma semaphore(%run_scoped3A_63 : memref<!tpu.dma_semaphore, #tpu.memory_space<semaphore_mem>>) src(%arg8 : memref<80x128xf32, #tpu.memory_space<vmem>>) dst(%dma_wait3A_75 : memref<10240x128xf32, #tpu.memory_space<vmem_shared>>)
      tpu.yield
    }) : () -> ()
    %barrier3A_58 = arith.constant 0 : index
    tpu.barrier barrier_id(%barrier3A_58)
    %mul3A_59 = arith.constant 640 : i32
    %mul3A_60 = arith.muli %arg1, %mul3A_59 : i32
    %mul3A_61 = arith.constant 640 : i32
    %mul3A_62 = arith.muli %arg1, %mul3A_61 : i32
    "tpu.region"() ({
      %run_scoped3A_63 = tpu.sem_alloc : memref<!tpu.dma_semaphore, #tpu.memory_space<semaphore_mem>>
      %dma_start3A_64 = arith.constant 0 : i32
      %dma_start3A_65 = tpu.memref_slice %arg5[%arg0, %mul3A_62, %dma_start3A_64] : memref<2x10240x128xf32, #tpu.memory_space<hbm>> -> memref<1x640x128xf32, #tpu.memory_space<hbm>>
      %dma_start3A_66 = tpu.memref_squeeze %dma_start3A_65 : memref<1x640x128xf32, #tpu.memory_space<hbm>> -> memref<640x128xf32, #tpu.memory_space<hbm>>
      %dma_start3A_67 = arith.constant 0 : i32
      %dma_start3A_68 = tpu.memref_slice %arg10[%mul3A_60, %dma_start3A_67] : memref<10240x128xf32, #tpu.memory_space<vmem_shared>> -> memref<640x128xf32, #tpu.memory_space<vmem_shared>>
      tpu.enqueue_dma source(%dma_start3A_68 : memref<640x128xf32, #tpu.memory_space<vmem_shared>>) target(%dma_start3A_66 : memref<640x128xf32, #tpu.memory_space<hbm>>) target_semaphore(%run_scoped3A_63 : memref<!tpu.dma_semaphore, #tpu.memory_space<semaphore_mem>>)
      %dma_wait3A_69 = arith.constant 0 : i32
      %dma_wait3A_70 = tpu.memref_slice %arg5[%arg0, %mul3A_62, %dma_wait3A_69] : memref<2x10240x128xf32, #tpu.memory_space<hbm>> -> memref<1x640x128xf32, #tpu.memory_space<hbm>>
      %dma_wait3A_71 = tpu.memref_squeeze %dma_wait3A_70 : memref<1x640x128xf32, #tpu.memory_space<hbm>> -> memref<640x128xf32, #tpu.memory_space<hbm>>
      %dma_wait3A_72 = arith.constant 0 : i32
      %dma_wait3A_73 = tpu.memref_slice %arg10[%mul3A_60, %dma_wait3A_72] : memref<10240x128xf32, #tpu.memory_space<vmem_shared>> -> memref<640x128xf32, #tpu.memory_space<vmem_shared>>
      tpu.wait_dma2 semaphore(%run_scoped3A_63 : memref<!tpu.dma_semaphore, #tpu.memory_space<semaphore_mem>>) src(%dma_wait3A_73 : memref<640x128xf32, #tpu.memory_space<vmem_shared>>) dst(%dma_wait3A_71 : memref<640x128xf32, #tpu.memory_space<hbm>>)
      tpu.yield
    }) : () -> ()
    return
  }
}

module attributes {stable_mosaic.version = 14 : i64} {
  func.func @_tc_dense_kernel(%arg0: i32, %arg1: memref<2000x128xf32, #tpu.memory_space<vmem>>, %arg2: memref<2x2000x128xf32, #tpu.memory_space<vmem>>, %arg3: memref<2000x1xf32, #tpu.memory_space<vmem>>, %arg4: memref<128x128xf32, #tpu.memory_space<vmem>>, %arg5: memref<128x128xf32, #tpu.memory_space<vmem>>, %arg6: memref<1x128xf32, #tpu.memory_space<vmem>>, %arg7: memref<2000x128xf32, #tpu.memory_space<vmem>>) attributes {dimension_semantics = [#tpu.dimension_semantics<arbitrary>], iteration_bounds = array<i64: 5>, scalar_prefetch = 0 : i64, scratch_operands = 0 : i64, tpu.core_type = #tpu.core_type<tc>, window_params = [{transform_indices = @transform_0, window_bounds = array<i64: 2000, 128>}, {transform_indices = @transform_1, window_bounds = array<i64: 2, 2000, 128>}, {transform_indices = @transform_2, window_bounds = array<i64: 2000, 1>}, {pipeline_mode = #tpu.pipeline_mode<synchronous>, transform_indices = @transform_3, window_bounds = array<i64: 128, 128>}, {pipeline_mode = #tpu.pipeline_mode<synchronous>, transform_indices = @transform_4, window_bounds = array<i64: 128, 128>}, {pipeline_mode = #tpu.pipeline_mode<synchronous>, transform_indices = @transform_5, window_bounds = array<i64: 1, 128>}, {transform_indices = @transform_6, window_bounds = array<i64: 2000, 128>}]} {
    %get3A = arith.constant 0 : index
    %get3A_0 = arith.constant 0 : index
    %get3A_1 = arith.constant 0 : index
    %get3A_2 = vector.load %arg2[%get3A, %get3A_0, %get3A_1] : memref<2x2000x128xf32, #tpu.memory_space<vmem>>, vector<1x2000x128xf32>
    %get3A_3 = vector.shape_cast %get3A_2 : vector<1x2000x128xf32> to vector<2000x128xf32>
    %get3A_4 = arith.constant 1 : index
    %get3A_5 = arith.constant 0 : index
    %get3A_6 = arith.constant 0 : index
    %get3A_7 = vector.load %arg2[%get3A_4, %get3A_5, %get3A_6] : memref<2x2000x128xf32, #tpu.memory_space<vmem>>, vector<1x2000x128xf32>
    %get3A_8 = vector.shape_cast %get3A_7 : vector<1x2000x128xf32> to vector<2000x128xf32>
    %add3A = arith.addf %get3A_3, %get3A_8 : vector<2000x128xf32>
    %get3A_9 = arith.constant 0 : index
    %get3A_10 = arith.constant 0 : index
    %get3A_11 = vector.load %arg3[%get3A_9, %get3A_10] : memref<2000x1xf32, #tpu.memory_space<vmem>>, vector<2000x1xf32>
    %jit3A = arith.constant 1.000000e+00 : f32
    %max3A = vector.broadcast %jit3A : f32 to vector<2000x1xf32>
    %max3A_12 = arith.maximumf %max3A, %get3A_11 : vector<2000x1xf32>
    %div3A = arith.constant 1.000000e+00 : f32
    %div3A_13 = vector.broadcast %div3A : f32 to vector<2000x1xf32>
    %div3A_14 = arith.divf %div3A_13, %max3A_12 : vector<2000x1xf32>
    %mul3A = vector.broadcast %div3A_14 : vector<2000x1xf32> to vector<2000x128xf32>
    %mul3A_15 = arith.mulf %add3A, %mul3A : vector<2000x128xf32>
    %get3A_16 = arith.constant 0 : index
    %get3A_17 = arith.constant 0 : index
    %get3A_18 = vector.load %arg1[%get3A_16, %get3A_17] : memref<2000x128xf32, #tpu.memory_space<vmem>>, vector<2000x128xf32>
    %get3A_19 = arith.constant 0 : index
    %get3A_20 = arith.constant 0 : index
    %get3A_21 = vector.load %arg4[%get3A_19, %get3A_20] : memref<128x128xf32, #tpu.memory_space<vmem>>, vector<128x128xf32>
    %dot_general3A = arith.constant dense<0.000000e+00> : vector<2000x128xf32>
    %dot_general3A_22 = tpu.matmul %get3A_18, %get3A_21, %dot_general3A {dimension_numbers = #tpu.dot_dimension_numbers<[1], [0], [0], [1], [0, 0, 1, 1], [], []>, transpose_lhs_hint = false} : vector<2000x128xf32>, vector<128x128xf32>, vector<2000x128xf32> -> vector<2000x128xf32>
    %get3A_23 = arith.constant 0 : index
    %get3A_24 = arith.constant 0 : index
    %get3A_25 = vector.load %arg5[%get3A_23, %get3A_24] : memref<128x128xf32, #tpu.memory_space<vmem>>, vector<128x128xf32>
    %dot_general3A_26 = arith.constant dense<0.000000e+00> : vector<2000x128xf32>
    %dot_general3A_27 = tpu.matmul %mul3A_15, %get3A_25, %dot_general3A_26 {dimension_numbers = #tpu.dot_dimension_numbers<[1], [0], [0], [1], [0, 0, 1, 1], [], []>, transpose_lhs_hint = false} : vector<2000x128xf32>, vector<128x128xf32>, vector<2000x128xf32> -> vector<2000x128xf32>
    %add3A_28 = arith.addf %dot_general3A_22, %dot_general3A_27 : vector<2000x128xf32>
    %get3A_29 = arith.constant 0 : index
    %get3A_30 = arith.constant 0 : index
    %get3A_31 = vector.load %arg6[%get3A_29, %get3A_30] : memref<1x128xf32, #tpu.memory_space<vmem>>, vector<1x128xf32>
    %add3A_32 = vector.broadcast %get3A_31 : vector<1x128xf32> to vector<2000x128xf32>
    %add3A_33 = arith.addf %add3A_28, %add3A_32 : vector<2000x128xf32>
    %max3A_34 = arith.constant 0.000000e+00 : f32
    %max3A_35 = vector.broadcast %max3A_34 : f32 to vector<2000x128xf32>
    %max3A_36 = arith.maximumf %add3A_33, %max3A_35 : vector<2000x128xf32>
    %swap3A = arith.constant 0 : index
    %swap3A_37 = arith.constant 0 : index
    %swap3A_38 = vector.load %arg7[%swap3A, %swap3A_37] : memref<2000x128xf32, #tpu.memory_space<vmem>>, vector<2000x128xf32>
    tpu.vector_store %arg7[%swap3A, %swap3A_37], %max3A_36 {strides = array<i32>} : memref<2000x128xf32, #tpu.memory_space<vmem>>, vector<2000x128xf32>,
    return
  }
  func.func @transform_0(%arg0: i32) -> (i32, i32) {
    %c0_i32 = arith.constant 0 : i32
    %c0_i32_0 = arith.constant 0 : i32
    return %arg0, %c0_i32 : i32, i32
  }
  func.func @transform_1(%arg0: i32) -> (i32, i32, i32) {
    %c0_i32 = arith.constant 0 : i32
    %c0_i32_0 = arith.constant 0 : i32
    %c0_i32_1 = arith.constant 0 : i32
    return %c0_i32, %arg0, %c0_i32_0 : i32, i32, i32
  }
  func.func @transform_2(%arg0: i32) -> (i32, i32) {
    %c0_i32 = arith.constant 0 : i32
    %c0_i32_0 = arith.constant 0 : i32
    return %arg0, %c0_i32 : i32, i32
  }
  func.func @transform_3(%arg0: i32) -> (i32, i32) {
    %c0_i32 = arith.constant 0 : i32
    %c0_i32_0 = arith.constant 0 : i32
    %c0_i32_1 = arith.constant 0 : i32
    return %c0_i32, %c0_i32_0 : i32, i32
  }
  func.func @transform_4(%arg0: i32) -> (i32, i32) {
    %c0_i32 = arith.constant 0 : i32
    %c0_i32_0 = arith.constant 0 : i32
    %c0_i32_1 = arith.constant 0 : i32
    return %c0_i32, %c0_i32_0 : i32, i32
  }
  func.func @transform_5(%arg0: i32) -> (i32, i32) {
    %c0_i32 = arith.constant 0 : i32
    %c0_i32_0 = arith.constant 0 : i32
    %c0_i32_1 = arith.constant 0 : i32
    return %c0_i32, %c0_i32_0 : i32, i32
  }
  func.func @transform_6(%arg0: i32) -> (i32, i32) {
    %c0_i32 = arith.constant 0 : i32
    %c0_i32_0 = arith.constant 0 : i32
    return %arg0, %c0_i32 : i32, i32
  }
}

</mosaic_0001>

<sc_bundles>
// kernel: kernel.4.cloned.1.call-start
scs
__scs_entry_jumppad:
0x0: {  	(pc) =	sbr.rel $0x88, $3  }
0x1: {  	(tag) =	ssettag $0x0;
	lr =	simm.s32 $0x1  }
0x2: {  	[smem:$0x3F9B] =	sst lr;
	_ =	strace $0xD0000000  }
0x3: {  	_ = 	snop  }
0x4: {  	_ = 	snop  }
0x5: {  	_ = 	snop  }
0x6: {  	_ = 	snop  }
0x7: {  	_ = 	snop  }
__scs_overlays_trampoline_lowered:
0x8: {  	[smem:$0x3FAA] =	sst s0  }
0x9: {  	[smem:$0x3FAB] =	sst s1  }
0xa: {  	[smem:$0x3FAC] =	sst s2  }
0xb: {  	[smem:$0x3FAD] =	sst s3  }
0xc: {  	[smem:$0x3FAE] =	sst s4  }
0xd: {  	[smem:$0x3FAF] =	sst s5  }
0xe: {  	[smem:$0x3FB0] =	sst s6  }
0xf: {  	[smem:$0x3FB1] =	sst s7  }
0x10: {  	[smem:$0x3FB2] =	sst s8  }
0x11: {  	[smem:$0x3FB3] =	sst s9;
	s0 =	simm.s32 @!p0 $0x0  }
0x12: {  	s1 =	sld [smem:$0x3F99];
	s0 =	simm.s32 @p0 $0x1  }
0x13: {  	[smem:$0x3FB4] =	sst s0;
	s0 =	simm.s32 @!p1 $0x0  }
0x14: {  	s2 =	sld [smem:$0x3F98];
	s0 =	simm.s32 @p1 $0x1  }
0x15: {  	[smem:$0x3FB5] =	sst s0;
	s0 =	simm.s32 @!p2 $0x0  }
0x16: {  	s3 =	sld [smem:$0x3FDB];
	s0 =	simm.s32 @p2 $0x1  }
0x17: {  	s4 =	simm.s32 $0x1BF5;
	[smem:$0x3FB7] =	sst s0  }
0x18: {  	s0 =	sld [smem:$0x3F9A];
	_ =	swait.ge [sflag:s4], $0x0  }
0x19: {  	s7 =	sld [smem:$0x3F9B]  }
0x1a: {  	s8 =	sadd.s32 $0xFFFFE003, lr  }
0x1b: {  	s9 =	sadd.s32 $0xFFFFFEF7, lr;
	s5 =	simm.s32 $0xFFFFFFFF;
	p2 =	slt.u32 s8, $0xFFFFF086  }
0x1c: {  	p1 =	slt.u32 s9, $0xF7A;
	s5 =	simm.s32 @!p2 $0x0  }
0x1d: {  	s5 =	simm.s32 @p1 $0x1;
	p0 =	seq.s32 s7, s2  }
0x1e: {  	s7 =	smul.u32 @!p0 $0xF7A, s2;
	p2 =	seq.s32 @!p0 s5, $0x0  }
0x1f: {  	s9 =	smul.u32 $0xF7A, s1;
	s8 =	simm.s32 @!p0 $0x1BF5;
	p2 =	por !p2, p0  }
0x20: {  	[sflag:s8] =	ssyncset.s32 @!p0 $0xFFFFF086;
	s6 =	sadd.s32 @!p0 s3, s7;
	s7 =	simm.s32 @!p0 $0x108  }
0x21: {  	s3 =	sadd.s32 s3, s9;
	s6 =	sadd.s32 @!p0 $0x88, s6;
	s7 =	simm.s32 @p2 $0x1082  }
0x22: {  	[simem:s7], [sflag:s8] =	dma.local @!p0 [hbm:s6], $0xF7A  }
0x23: {  	s9 =	sor.u32 $0xD0000000, s2;
	s6 =	simm.s32 $0x108;
	_ =	swait.ge @!p0 [sflag:s8], $0x0  }
0x24: {  	s3 =	sadd.s32 $0x88, s3;
	s6 =	simm.s32 @!p1 $0x1082;
	[sflag:s4] =	ssyncset.s32 $0xFFFFF086  }
0x25: {  	[simem:s6], [sflag:s4] =	dma.local [hbm:s3], $0xF7A  }
0x26: {  	[smem:$0x3F9B] =	sst s1;
	(tag) =	ssettag s2;
	_ =	strace s9  }
0x27: {  	s1 =	sld [smem:$0x3FAB]  }
0x28: {  	s2 =	sld [smem:$0x3FAC]  }
0x29: {  	s4 =	sld [smem:$0x3FAE]  }
0x2a: {  	p0 =	seq.s32 s5, $0x0;
	s5 =	sld [smem:$0x3FAF]  }
0x2b: {  	s6 =	sld [smem:$0x3FB0]  }
0x2c: {  	s7 =	sld [smem:$0x3FB1]  }
0x2d: {  	s3 =	simm.s32 $0x108;
	s8 =	sld [smem:$0x3FB2]  }
0x2e: {  	s3 =	simm.s32 @!p0 $0x1082;
	s9 =	sld [smem:$0x3FB3]  }
0x2f: {  	lr =	sadd.s32 s0, s3;
	s0 =	sld [smem:$0x3FAA]  }
0x30: {  	s3 =	sld [smem:$0x3FAD]  }
0x31: {  	[smem:$0x3FB6] =	sst s10  }
0x32: {  	s10 =	sld [smem:$0x3FB4];
	_ =	sdelay $0x3  }
0x33: {  	p0 =	seq.s32 s10, $0x1;
	s10 =	sld [smem:$0x3FB6];
	_ =	sdelay $0x3  }
0x34: {  	[smem:$0x3FB6] =	sst s10  }
0x35: {  	s10 =	sld [smem:$0x3FB5];
	_ =	sdelay $0x3  }
0x36: {  	p1 =	seq.s32 s10, $0x1;
	s10 =	sld [smem:$0x3FB6];
	_ =	sdelay $0x3  }
0x37: {  	[smem:$0x3FB6] =	sst s10  }
0x38: {  	s10 =	sld [smem:$0x3FB7]  }
0x39: {  	_ = 	snop;
	(pc) =	sbr.ind lr, $3  }
0x3a: {  	_ = 	snop  }
0x3b: {  	_ = 	snop  }
0x3c: {  	p2 =	seq.s32 s10, $0x1;
	s10 =	sld [smem:$0x3FB6]  }
0x3d: {  	_ =	shalt  }
0x3e: {  	_ =	shalt  }
0x3f: {  	_ =	shalt  }
0x40: {  	_ =	shalt  }
0x41: {  	_ =	shalt  }
0x42: {  	_ =	shalt  }
0x43: {  	_ =	shalt  }
0x44: {  	_ =	shalt  }
0x45: {  	_ =	shalt  }
0x46: {  	_ =	shalt  }
0x47: {  	_ =	shalt  }
0x48: {  	_ =	shalt  }
0x49: {  	_ =	shalt  }
0x4a: {  	_ =	shalt  }
0x4b: {  	_ =	shalt  }
0x4c: {  	_ =	shalt  }
0x4d: {  	_ =	shalt  }
0x4e: {  	_ =	shalt  }
0x4f: {  	_ =	shalt  }
0x50: {  	_ =	shalt  }
0x51: {  	_ =	shalt  }
0x52: {  	_ =	shalt  }
0x53: {  	_ =	shalt  }
0x54: {  	_ =	shalt  }
0x55: {  	_ =	shalt  }
0x56: {  	_ =	shalt  }
0x57: {  	_ =	shalt  }
0x58: {  	_ =	shalt  }
0x59: {  	_ =	shalt  }
0x5a: {  	_ =	shalt  }
0x5b: {  	_ =	shalt  }
0x5c: {  	_ =	shalt  }
0x5d: {  	_ =	shalt  }
0x5e: {  	_ =	shalt  }
0x5f: {  	_ =	shalt  }
0x60: {  	_ =	shalt  }
0x61: {  	_ =	shalt  }
0x62: {  	_ =	shalt  }
0x63: {  	_ =	shalt  }
0x64: {  	_ =	shalt  }
0x65: {  	_ =	shalt  }
0x66: {  	_ =	shalt  }
0x67: {  	_ =	shalt  }
0x68: {  	_ =	shalt  }
0x69: {  	_ =	shalt  }
0x6a: {  	_ =	shalt  }
0x6b: {  	_ =	shalt  }
0x6c: {  	_ =	shalt  }
0x6d: {  	_ =	shalt  }
0x6e: {  	_ =	shalt  }
0x6f: {  	_ =	shalt  }
0x70: {  	_ =	shalt  }
0x71: {  	_ =	shalt  }
0x72: {  	_ =	shalt  }
0x73: {  	_ =	shalt  }
0x74: {  	_ =	shalt  }
0x75: {  	_ =	shalt  }
0x76: {  	_ =	shalt  }
0x77: {  	_ =	shalt  }
0x78: {  	_ =	shalt  }
0x79: {  	_ =	shalt  }
0x7a: {  	_ =	shalt  }
0x7b: {  	_ =	shalt  }
0x7c: {  	_ =	shalt  }
0x7d: {  	_ =	shalt  }
0x7e: {  	_ =	shalt  }
0x7f: {  	_ =	shalt  }
0x80: {  	_ =	shalt  }
0x81: {  	_ =	shalt  }
0x82: {  	_ =	shalt  }
0x83: {  	_ =	shalt  }
0x84: {  	_ =	shalt  }
0x85: {  	_ =	shalt  }
0x86: {  	_ =	shalt  }
0x87: {  	_ =	shalt  }
.Lfunc_end0:
.L_simem_size_0:
called_computation_lowered:
.L_overlay_start_0:
0x88: {  	s2 =	sld [smem:$0x3FD9]  }
0x89: {  	s3 =	sld [smem:$0x3FFE];
	_ =	sdelay $0x1  }
0x8a: {  	s1 =	srdreg.scid  }
0x8b: {  	s0 =	sand.u32 $0x1, s1  }
0x8c: {  	s17 =	sshll.u32 s0, $0xA;
	s2 =	sadd.s32 s3, s2  }
0x8d: {  	s2 =	sadd.s32 s2, s17  }
0x8e: {  	[smem:$0x3FC2] =	sst s2  }
0x8f: {  	_ = 	snop  }
0x90: {  	s2 =	sld [smem:$0x3FC9]  }
0x91: {  	s18 =	sld [smem:$0x3FD0];
	(tm) =	ssettm $0x1  }
0x92: {  	s4 =	sld [smem:$0x3FFB];
	_ =	sdelay $0x3  }
0x93: {  	_ =	strace s4  }
0x94: {  	s4 =	sld [smem:$0x3FFC];
	_ =	sdelay $0x3  }
0x95: {  	_ =	strace s4  }
0x96: {  	s4 =	sld [smem:$0x3FFD];
	_ =	sdelay $0x3  }
0x97: {  	_ =	strace s4  }
0x98: {  	_ =	strace $0x8FFFFFFF  }
0x99: {  	s19 =	sld [smem:$0x3FDB];
	_ =	sdelay $0x1  }
0x9a: {  	s5 =	simm.s32 $_scs_section_size  }
0x9b: {  	s6 =	simm.s32 $_size__tile_overlayer_lowered;
	s7 =	simm.s32 $_tile_overlayer_lowered  }
0x9c: {  	s22 =	simm.s32 $0x1BFF;
	s21 =	sshll.u32 s7, $0x1;
	s4 =	sadd.s32 s5, s19  }
0x9d: {  	s8 =	simm.s32 $0x0;
	s20 =	sshll.u32 s6, $0x1;
	s6 =	sadd.s32 s21, s4  }
0x9e: {  	[timem:s8], [sflag:s22] =	dma.local [hbm:s6], s20  }
0x9f: {  	_ =	swait.ge [sflag:s22], s20  }
0xa0: {  	s5 =	ssub.s32 $0x0, s20;
	[sflag:s22] =	ssyncset.done $0x0  }
0xa1: {  	[sflag:s22] =	ssyncadd.s32 s5;
	_ =	sdelay $0x1  }
0xa2: {  	s23 =	simm.s32 $0x1B8B  }
0xa3: {  	_ =	swait.ge [sflag:s23], $0x1  }
0xa4: {  	[sflag:s23] =	ssyncset.done $0x0  }
0xa5: {  	s25 =	simm.s32 $0x1B8E;
	s24 =	sld [smem:$0x3FFE];
	[sflag:s23] =	ssyncadd.s32 $0xFFFFFFFF  }
0xa6: {  	s26 =	simm.s32 $execute0_lowered;
	[smem:$0x3FD2] =	sst s25  }
0xa7: {  	s6 =	sshll.u32 s26, $0x1;
	_ =	strace $0x80000046;
	[dreg:$0x1] =	wrdreg $0xFFFFFFFF  }
0xa8: {  	s28 =	simm.s32 $_size_execute0_lowered;
	s4 =	sadd.s32 s4, s6;
	[dreg:$0x0] =	wrdreg $0x0  }
0xa9: {  	s6 =	sshll.u32 s28, $0x1;
	[dreg:$0x2] =	wrdreg s4  }
0xaa: {  	[dreg:$0x3] =	wrdreg s6  }
0xab: {  	[dreg:$0x4] =	wrdreg $0xC0  }
0xac: {  	_ =	task [dreg:s8], $0x5FFFF  }
0xad: {  	[dreg:$0x1] =	wrdreg $0xFFFFFFFF  }
0xae: {  	[dreg:$0x0] =	wrdreg $0x60  }
0xaf: {  	[dreg:$0x2] =	wrdreg s2  }
0xb0: {  	[dreg:$0x3] =	wrdreg s24  }
0xb1: {  	[dreg:$0x4] =	wrdreg s18  }
0xb2: {  	[dreg:$0x5] =	wrdreg $0xB7800  }
0xb3: {  	[dreg:$0x6] =	wrdreg $0x9  }
0xb4: {  	_ =	task.clear_ibuf [dreg:s8], $0x7FFFF;
	_ =	strace $0x90000046  }
0xb5: {  	s29 =	simm.s32 $0x9;
	_ =	strace $0x80000048  }
0xb6: {  	_ =	swait.ge [sflag:s29], $0x1  }
0xb7: {  	[sflag:s29] =	ssyncadd.s32 $0xFFFFFFFF  }
0xb8: {  	_ =	strace $0x90000048  }
0xb9: {  	_ =	sfence  }
0xba: {  	s30 =	sld [smem:$0x0];
	_ =	sdelay $0x2  }
0xbb: {  	s31 =	sshll.u32 s1, $0xD;
	s1 =	sshrl.u32 s1, $0x2  }
0xbc: {  	s3 =	sand.u32 $0x4000, s31;
	s1 =	sadd.s32 s1, s30  }
0xbd: {  	s0 =	sor.u32 s3, s0;
	s1 =	sshll.u32 s1, $0x11  }
0xbe: {  	s0 =	sor.u32 s1, s0  }
0xbf: {  	s0 =	sadd.s32 $0x8F2B, s0  }
0xc0: {  	[sflag:s0] =	ssyncadd.remote.s32 $0x1  }
0xc1: {  	_ =	sfence.sel $0xFFFF  }
0xc2: {  	[dreg:$0x0] =	wrdreg $0xFFFFFFFF;
	(pc) =	sbr.abs _section_cstart, $3  }
0xc3: {  	[dreg:$0x1] =	wrdreg $0xFFFFFFFF  }
0xc4: {  	_ =	task.clear_ibuf [dreg:s8], $0x2FFFF;
	_ =	strace $0x9FFFFFFF  }
0xc5: {  	(tm) =	ssettm $0x7FFFFFFF  }
tec
execute0_lowered:
.L_overlay_start_1:
0x0: {  	(tag) =	ssettag $0x1  }
0x1: {  	s1 =	rddreg [dreg:$0x0]  }
0x2: {  	s0 =	srdreg.scid;
	s2 =	rddreg [dreg:$0x1]  }
0x3: {  	s10 =	stileid.u32;
	s6 =	rddreg [dreg:$0x2]  }
0x4: {  	s20 =	simm.s32 $0x6780;
	s21 =	simm.s32 $0x3;
	s22 =	simm.s32 $0x1  }
0x5: {  	s28 =	simm.s32 $0x26C0;
	s29 =	simm.s32 $0x6500;
	s30 =	simm.s32 $0x6580  }
0x6: {  	s31 =	simm.s32 $0x0;
	s0 =	sand.u32 $0x1, s0;
	s8 =	sshll.u32 s10, $0x7  }
0x7: {  	s23 =	smul.u32 $0x14000, s10;
	s3 =	sshll.u32 s0, $0x4;
	s8 =	sand.u32 $0x380, s8  }
0x8: {  	s9 =	smul.u32 $0x140000, s0;
	s0 =	ssub.s32 $0x2, s0;
	s5 =	sor.u32 s10, s3  }
0x9: {  	s3 =	rddreg [dreg:$0x3];
	s24 =	sshrl.u32 s0, $0x1;
	s10 =	smul.u32 $0x50000, s10  }
0xa: {  	s4 =	sshrl.u32 s5, $0x3;
	s0 =	ssub.s32 s0, s24;
	s25 =	sshll.u32 s5, $0xB  }
0xb: {  	s24 =	simm.s32 $0x50;
	s7 =	smul.u32 $0x13C00, s4;
	s4 =	simm.s32 $0x0  }
0xc: {  	s6 =	sadd.s32 s6, s25;
	s26 =	sshrl.u32 s10, $0x2;
	[smem:$0x7FF] =	sst s4  }
0xd: {  	s25 =	simm.s32 $0x8F80;
	s7 =	sor.u32 s8, s7;
	_ =	strace $0x80000047  }
0xe: {  	s8 =	sadd.s32 s23, s9;
	s9 =	smax.u32 s0, $0x1;
	s7 =	sshrl.u32 s7, $0x3  }
0xf: {  	s23 =	simm.s32 $0x2;
	s8 =	sshrl.u32 s8, $0x3;
	s7 =	sadd.s32 s7, s2  }
0x10: {  	s2 =	sadd.s32 s8, s2;
	s8 =	sadd.s32 s26, s3;
	s26 =	simm.s32 $0x6480  }
0x11: {  	s5 =	sadd.s32 $0xE00, s7;
	s7 =	sadd.s32 $0xAC00, s2;
	s10 =	sadd.s32 $0x2800, s8  }
0x12: {  	s11 =	sadd.s32 $0x5000, s8;
	s12 =	sadd.s32 $0x7800, s8;
	s13 =	sadd.s32 $0xA000, s8  }
0x13: {  	v0 =	vimm.f32 $0.0e+00;
	s14 =	sadd.s32 $0xC800, s8;
	s15 =	sadd.s32 $0xF000, s8;
	s16 =	sadd.s32 $0x11800, s8  }
.LBB2_1:
0x14: {  	s0 =	simm.s32 $0x80;
	s2 =	simm.s32 $0x400  }
0x15: {  	[tilespmem:s4], [sflag:$0x1] =	stream.strided.gather [hbm4b:s5+s0], $0x2780, s2, s0, $0x38;
	[tilespmem:$0x1F780] =	vst v63  }
0x16: {  	s17 =	simm.s32 $0x2780;
	s18 =	sand.u32 $0xFE00, s4  }
0x17: {  	[tilespmem:s17], [sflag:$0x2] =	stream.linear.gather [hbm4b:s6+s4], $0x3E80, $0x38;
	[tilespmem:$0x1F780] =	vst v63  }
0x18: {  	s19 =	sand.u32 $0x70, s4;
	s17 =	sshrl.u32 s18, $0x2  }
0x19: {  	s0 =	simm.s32 $0x40;
	s2 =	simm.s32 $0x0;
	s17 =	sor.u32 s19, s17  }
.LBB2_2:
0x1a: {  	p0 =	sne.s32 s0, $0x9FC0  }
0x1b: {  	[tilespmem:s17+$0x6780] =	vst v0;
	s2 =	sadd.s32 $0x10, s2;
	s17 =	smov.u32 s0;
	s0 =	sadd.s32 $0x40, s0  }
.Ltmp0:
0x1c: {  	(pc) =	sbr.rel @p0 .LBB2_2-.Ltmp0, $4  }
0x1d: {  	_ = 	snop  }
0x1e: {  	s17 =	sand.u32 $0xFE00, s17  }
0x1f: {  	s18 =	sand.u32 $0x70, s2;
	s17 =	sshrl.u32 s17, $0x2  }
0x20: {  	s17 =	sor.u32 s18, s17  }
0x21: {  	[tilespmem:s17+$0x6780] =	vst v0  }
0x22: {  	[spmem:s8] =	stream.linear.scatter [tilespmem:s20], [sflag:$0x3], $0x2800, $0x38;
	[tilespmem:$0x1F780] =	vst v63  }
0x23: {  	_ =	swait.ge [sflag:s21], $0x2800  }
0x24: {  	[sflag:s21] =	ssyncset.done $0x0  }
0x25: {  	[sflag:s21] =	ssyncadd.s32 $0xFFFFD800  }
0x26: {  	[spmem:s10] =	stream.linear.scatter [tilespmem:s20], [sflag:$0x3], $0x2800, $0x38;
	[tilespmem:$0x1F780] =	vst v63  }
0x27: {  	_ =	swait.ge [sflag:s21], $0x2800  }
0x28: {  	[sflag:s21] =	ssyncset.done $0x0  }
0x29: {  	[sflag:s21] =	ssyncadd.s32 $0xFFFFD800  }
0x2a: {  	[spmem:s11] =	stream.linear.scatter [tilespmem:s20], [sflag:$0x3], $0x2800, $0x38;
	[tilespmem:$0x1F780] =	vst v63  }
0x2b: {  	_ =	swait.ge [sflag:s21], $0x2800  }
0x2c: {  	[sflag:s21] =	ssyncset.done $0x0  }
0x2d: {  	[sflag:s21] =	ssyncadd.s32 $0xFFFFD800  }
0x2e: {  	[spmem:s12] =	stream.linear.scatter [tilespmem:s20], [sflag:$0x3], $0x2800, $0x38;
	[tilespmem:$0x1F780] =	vst v63  }
0x2f: {  	_ =	swait.ge [sflag:s21], $0x2800  }
0x30: {  	[sflag:s21] =	ssyncset.done $0x0  }
0x31: {  	[sflag:s21] =	ssyncadd.s32 $0xFFFFD800  }
0x32: {  	[spmem:s13] =	stream.linear.scatter [tilespmem:s20], [sflag:$0x3], $0x2800, $0x38;
	[tilespmem:$0x1F780] =	vst v63  }
0x33: {  	_ =	swait.ge [sflag:s21], $0x2800  }
0x34: {  	[sflag:s21] =	ssyncset.done $0x0  }
0x35: {  	[sflag:s21] =	ssyncadd.s32 $0xFFFFD800  }
0x36: {  	[spmem:s14] =	stream.linear.scatter [tilespmem:s20], [sflag:$0x3], $0x2800, $0x38;
	[tilespmem:$0x1F780] =	vst v63  }
0x37: {  	_ =	swait.ge [sflag:s21], $0x2800  }
0x38: {  	[sflag:s21] =	ssyncset.done $0x0  }
0x39: {  	[sflag:s21] =	ssyncadd.s32 $0xFFFFD800  }
0x3a: {  	[spmem:s15] =	stream.linear.scatter [tilespmem:s20], [sflag:$0x3], $0x2800, $0x38;
	[tilespmem:$0x1F780] =	vst v63  }
0x3b: {  	_ =	swait.ge [sflag:s21], $0x2800  }
0x3c: {  	[sflag:s21] =	ssyncset.done $0x0  }
0x3d: {  	[sflag:s21] =	ssyncadd.s32 $0xFFFFD800  }
0x3e: {  	[spmem:s16] =	stream.linear.scatter [tilespmem:s20], [sflag:$0x3], $0x2800, $0x38;
	[tilespmem:$0x1F780] =	vst v63  }
0x3f: {  	_ =	swait.ge [sflag:s21], $0x2800  }
0x40: {  	[sflag:s21] =	ssyncset.done $0x0  }
0x41: {  	[sflag:s21] =	ssyncadd.s32 $0xFFFFD800  }
0x42: {  	_ =	swait.ge [sflag:s22], $0x2780  }
0x43: {  	[sflag:s22] =	ssyncset.done $0x0  }
0x44: {  	[sflag:s22] =	ssyncadd.s32 $0xFFFFD880  }
0x45: {  	_ =	swait.ge [sflag:s23], $0x3E80  }
0x46: {  	[sflag:s23] =	ssyncset.done $0x0  }
0x47: {  	[sflag:s23] =	ssyncadd.s32 $0xFFFFC180  }
0x48: {  	s0 =	simm.s32 $0x0;
	[bflag:$0x0] =	sbarrier.arrive $0xFFFF  }
0x49: {  	[tilespmem:s20], [sflag:$0x1] =	stream.indirect.gather [hbm4b:s1+s24], $0x80, s0, s24, $0xb8;
	[tilespmem:$0x1F780] =	vst v63  }
0x4a: {  	_ = 	snop  }
0x4b: {  	[tilespmem:s25], [sflag:$0x2] =	stream.indirect.gather [hbm4b:s1+s24], $0x80, s24, s24, $0xb8;
	[tilespmem:$0x1F780] =	vst v63  }
0x4c: {  	_ =	swait.ge [sflag:s22], $0x2800  }
0x4d: {  	[sflag:s22] =	ssyncset.done $0x0  }
0x4e: {  	s17 =	simm.s32 $0x2780;
	[sflag:s22] =	ssyncadd.s32 $0xFFFFD800  }
0x4f: {  	[spmem:s3] =	stream.indirect.scatter.add.f32 [tilespmem:s20], [sflag:$0x3], $0x80, s17, s24, $0xb8;
	[tilespmem:$0x1F780] =	vst v63  }
0x50: {  	_ =	swait.ge [sflag:s21], $0x2800  }
0x51: {  	[sflag:s21] =	ssyncset.done $0x0  }
0x52: {  	s18 =	simm.s32 $0xA0;
	[sflag:s21] =	ssyncadd.s32 $0xFFFFD800  }
0x53: {  	[tilespmem:s20], [sflag:$0x1] =	stream.indirect.gather [hbm4b:s1+s24], $0x80, s18, s24, $0xb8;
	[tilespmem:$0x1F780] =	vst v63  }
0x54: {  	_ =	swait.ge [sflag:s23], $0x2800  }
0x55: {  	[sflag:s23] =	ssyncset.done $0x0  }
0x56: {  	s19 =	simm.s32 $0x2800;
	[sflag:s23] =	ssyncadd.s32 $0xFFFFD800  }
0x57: {  	[spmem:s3] =	stream.indirect.scatter.add.f32 [tilespmem:s25], [sflag:$0x3], $0x80, s19, s24, $0xb8;
	[tilespmem:$0x1F780] =	vst v63  }
0x58: {  	_ =	swait.ge [sflag:s21], $0x2800  }
0x59: {  	s2 =	simm.s32 $0xF0;
	[sflag:s21] =	ssyncset.done $0x0  }
0x5a: {  	s0 =	simm.s32 $0x400;
	s17 =	simm.s32 $0x190;
	[sflag:s21] =	ssyncadd.s32 $0xFFFFD800  }
.LBB2_4:
0x5b: {  	[tilespmem:s25], [sflag:$0x2] =	stream.indirect.gather [hbm4b:s1+s24], $0x80, s2, s24, $0xb8;
	[tilespmem:$0x1F780] =	vst v63  }
0x5c: {  	s18 =	smov.u32 s0;
	s2 =	smov.u32 s17  }
0x5d: {  	p0 =	sne.s32 s0, $0xF000;
	s0 =	sadd.s32 $0x400, s0;
	_ =	swait.ge [sflag:s22], $0x2800  }
0x5e: {  	s18 =	sshra.s32 s18, $0x2;
	[sflag:s22] =	ssyncset.done $0x0  }
0x5f: {  	s19 =	sadd.s32 $0x2780, s18;
	[sflag:s22] =	ssyncadd.s32 $0xFFFFD800  }
0x60: {  	[spmem:s3] =	stream.indirect.scatter.add.f32 [tilespmem:s20], [sflag:$0x3], $0x80, s19, s24, $0xb8;
	[tilespmem:$0x1F780] =	vst v63  }
0x61: {  	_ =	swait.ge [sflag:s21], $0x2800  }
0x62: {  	[sflag:s21] =	ssyncset.done $0x0  }
0x63: {  	s19 =	sadd.s32 $0xFFFFFFB0, s17;
	[sflag:s21] =	ssyncadd.s32 $0xFFFFD800  }
0x64: {  	[tilespmem:s20], [sflag:$0x1] =	stream.indirect.gather [hbm4b:s1+s24], $0x80, s19, s24, $0xb8;
	[tilespmem:$0x1F780] =	vst v63  }
0x65: {  	_ =	swait.ge [sflag:s23], $0x2800  }
0x66: {  	[sflag:s23] =	ssyncset.done $0x0  }
.Ltmp1:
0x67: {  	s18 =	sadd.s32 $0x2800, s18;
	[sflag:s23] =	ssyncadd.s32 $0xFFFFD800;
	(pc) =	sbr.rel @p0 .LBB2_4-.Ltmp1, $4  }
0x68: {  	[spmem:s3] =	stream.indirect.scatter.add.f32 [tilespmem:s25], [sflag:$0x3], $0x80, s18, s24, $0xb8;
	[tilespmem:$0x1F780] =	vst v63  }
0x69: {  	_ =	swait.ge [sflag:s21], $0x2800  }
0x6a: {  	[sflag:s21] =	ssyncset.done $0x0  }
0x6b: {  	s17 =	sadd.s32 $0xA0, s17;
	[sflag:s21] =	ssyncadd.s32 $0xFFFFD800  }
0x6c: {  	[tilespmem:s25], [sflag:$0x2] =	stream.indirect.gather [hbm4b:s1+s24], $0x80, s2, s24, $0xb8;
	[tilespmem:$0x1F780] =	vst v63  }
0x6d: {  	_ =	swait.ge [sflag:s22], $0x2800  }
0x6e: {  	[sflag:s22] =	ssyncset.done $0x0  }
0x6f: {  	[sflag:s22] =	ssyncadd.s32 $0xFFFFD800  }
0x70: {  	[spmem:s3] =	stream.indirect.scatter.add.f32 [tilespmem:s20], [sflag:$0x3], $0x80, s26, s24, $0xb8;
	[tilespmem:$0x1F780] =	vst v63  }
0x71: {  	_ =	swait.ge [sflag:s21], $0x2800  }
0x72: {  	[sflag:s21] =	ssyncset.done $0x0  }
0x73: {  	[sflag:s21] =	ssyncadd.s32 $0xFFFFD800  }
0x74: {  	[tilespmem:s20], [sflag:$0x1] =	stream.indirect.gather [hbm4b:s1+s24], $0x80, s28, s24, $0xb8;
	[tilespmem:$0x1F780] =	vst v63  }
0x75: {  	_ =	swait.ge [sflag:s23], $0x2800  }
0x76: {  	[sflag:s23] =	ssyncset.done $0x0  }
0x77: {  	[sflag:s23] =	ssyncadd.s32 $0xFFFFD800  }
0x78: {  	[spmem:s3] =	stream.indirect.scatter.add.f32 [tilespmem:s25], [sflag:$0x3], $0x80, s29, s24, $0xb8;
	[tilespmem:$0x1F780] =	vst v63  }
0x79: {  	_ =	swait.ge [sflag:s21], $0x2800  }
0x7a: {  	[sflag:s21] =	ssyncset.done $0x0  }
0x7b: {  	[sflag:s21] =	ssyncadd.s32 $0xFFFFD800  }
0x7c: {  	_ =	swait.ge [sflag:s22], $0x2800  }
0x7d: {  	[sflag:s22] =	ssyncset.done $0x0  }
0x7e: {  	[sflag:s22] =	ssyncadd.s32 $0xFFFFD800  }
0x7f: {  	[spmem:s3] =	stream.indirect.scatter.add.f32 [tilespmem:s20], [sflag:$0x3], $0x80, s30, s24, $0xb8;
	[tilespmem:$0x1F780] =	vst v63  }
0x80: {  	s0 =	stileid.u32;
	_ =	swait.ge [sflag:s21], $0x2800  }
0x81: {  	s19 =	sshrl.u32 s8, $0x3;
	s31 =	sadd.s32 $0x1, s31;
	[sflag:s21] =	ssyncset.done $0x0  }
0x82: {  	s0 =	sshll.u32 s0, $0x6;
	p0 =	sne.s32 s31, s9;
	[sflag:s21] =	ssyncadd.s32 $0xFFFFD800  }
.Ltmp2:
0x83: {  	s0 =	sor.u32 $0x1C03, s0;
	[bflag:$0x0] =	sbarrier.arrive $0xFFFF;
	(pc) =	sbr.rel @p0 .LBB2_1-.Ltmp2, $4  }
0x84: {  	[hbm:s7], [sflag:s0] =	dma.local [spmem:s19], $0x2800  }
0x85: {  	_ =	swait.ge [sflag:s21], $0x2800  }
0x86: {  	[sflag:s21] =	ssyncset.done $0x0  }
0x87: {  	[sflag:s21] =	ssyncadd.s32 $0xFFFFD800  }
0x88: {  	_ =	sfence.sel $0x180000  }
0x89: {  	[bflag:$0x0] =	sbarrier.arrive $0xFFFF  }
0x8a: {  	_ =	strace $0x90000047  }
0x8b: {  	s0 =	stileid.u32;
	[bflag:$0x2] =	sbarrier.arrive $0xFFFF  }
0x8c: {  	p0 =	sne.s32 s0, $0x0;
	s0 =	rddreg [dreg:$0x4]  }
0x8d: {  	s0 =	sadd.s32 @!p0 $0x100000, s0  }
0x8e: {  	[sflag:s0] =	ssyncadd.tile.s32 @!p0 $0x1;
	_ =	shalt  }
.Lfunc_end2:
_tile_overlayer_lowered:
.L_overlay_start_2:
0x8f: {  	(tag) =	ssettag $0x2  }
0x90: {  	s0 =	rddreg [dreg:$0x0];
	s2 =	stileid.u32  }
0x91: {  	s1 =	rddreg [dreg:$0x1];
	p0 =	sne.s32 s2, $0x0  }
0x92: {  	s3 =	rddreg [dreg:$0x2];
	[bflag:$0x3] =	sbarrier.arrive $0xFFFF;
	s2 =	simm.s32 @!p0 $0x1C03  }
0x93: {  	[timem:s3], [sflag:s2] =	dma.local @!p0 [hbm:s0], s1  }
0x94: {  	s0 =	simm.s32 @!p0 $0x3  }
0x95: {  	_ =	swait.ge @!p0 [sflag:s0], s1  }
0x96: {  	s1 =	ssub.s32 @!p0 $0x0, s1;
	[sflag:s0] =	ssyncset.done @!p0 $0x0  }
0x97: {  	[sflag:s0] =	ssyncadd.s32 @!p0 s1  }
0x98: {  	[bflag:$0x3] =	sbarrier.arrive $0xFFFF  }
0x99: {  	_ =	shalt  }

</sc_bundles>
